<compile_context>
chip_gen: v7x
topology: tpu7x:2x2x1
jax: 0.10.2.dev20260603
libtpu: 0.0.44.dev20260713+nightly
codegen_flags: <defaults>
</compile_context>

<pallas_src>
import jax
import jax.numpy as jnp
from jax.experimental import pallas as pl
from jax.experimental.pallas import tpu as pltpu

_LOG2E = 1.4426950408889634
_LN2 = 0.6931471805599453

_BLKB = 32768


def _body(x_ref, w1_ref, b1_ref, w2_ref, b2_ref, wl_ref, bl_ref, o_ref):
    xb = x_ref[...]
    s = xb[0] + xb[1] + xb[2]
    w1f = _LOG2E * w1_ref[...]
    b1f = (3.0 * _LOG2E) * jnp.transpose(b1_ref[...])
    w2f = 3.0 * w2_ref[...]
    b2f = (3.0 * _LOG2E) * jnp.transpose(b2_ref[...])
    c = _LN2 * jnp.sum(wl_ref[...])

    z1 = jax.lax.dot_general(w1f, s, (((0,), (0,)), ((), ())),
                             preferred_element_type=jnp.float32) + b1f
    up = jnp.log2(1.0 + jnp.exp2(z1))
    z2 = jax.lax.dot_general(w2f, up, (((0,), (0,)), ((), ())),
                             preferred_element_type=jnp.float32) + b2f
    vp = jnp.log2(1.0 + jnp.exp2(z2))
    o_ref[...] = c * vp + bl_ref[...]


def kernel(x, W1, b1, W2, b2, Wl, bl, src, dst):
    B = x.shape[0]
    xt = jnp.transpose(x, (1, 2, 0))
    grid = (B // _BLKB,)
    full = lambda shape: pl.BlockSpec(shape, lambda i: tuple(0 for _ in shape))
    out = pl.pallas_call(
        _body,
        grid=grid,
        in_specs=[
            pl.BlockSpec((3, 4, _BLKB), lambda i: (0, 0, i)),
            full((4, 32)),
            full((1, 32)),
            full((32, 32)),
            full((1, 32)),
            full((1, 3)),
            full((1, 1)),
        ],
        out_specs=pl.BlockSpec((32, _BLKB), lambda i: (0, i)),
        out_shape=jax.ShapeDtypeStruct((32, B), jnp.float32),
        compiler_params=pltpu.CompilerParams(
            dimension_semantics=("parallel",)),
    )(xt, W1, b1.reshape(1, 32), W2, b2.reshape(1, 32),
      Wl.reshape(1, 3), bl.reshape(1, 1))
    return jnp.transpose(out, (1, 0)).reshape(B, 32, 1)

# --- scband reference (transcript-rebuilt; emitter-appended) ---
"""Pipeline reference for scband-gnn-2826088481036 (READ-ONLY COPY).

The authoritative reference and input builder live on the scoring server;
editing this copy changes nothing except your own understanding.
"""

import jax, jax.numpy as jnp
import numpy as np

# The module hardcodes a 3-node fully-connected DGL graph:
#   src = [0,0,0,1,1,1,2,2,2], dst = [0,1,2,0,1,2,0,1,2]
# GCNLayer (DGL tutorial style): h = dropout(h); h = Linear(h); update_all(copy_src, sum); h = activation(h)
# Dropout is disabled in this deterministic reference (eval mode).
# Node count is structurally pinned to 3 by nn.Linear(3, 1) applied after transpose,
# so production scale is achieved via a large leading batch dimension.

def setup_inputs(seed: int = 0) -> dict:
    key = jax.random.key(seed)
    ks = jax.random.split(key, 4)
    B = 262144
    x = jax.random.normal(ks[0], (B, 3, 4), dtype=jnp.float32)
    W1 = jax.random.normal(ks[1], (4, 32), dtype=jnp.float32) * 0.1
    b1 = jnp.zeros((32,), jnp.float32)
    W2 = jax.random.normal(ks[2], (32, 32), dtype=jnp.float32) * 0.1
    b2 = jnp.zeros((32,), jnp.float32)
    Wl = jax.random.normal(ks[3], (3, 1), dtype=jnp.float32) * 0.1
    bl = jnp.zeros((1,), jnp.float32)
    src = jnp.array([0, 0, 0, 1, 1, 1, 2, 2, 2], dtype=jnp.int32)
    dst = jnp.array([0, 1, 2, 0, 1, 2, 0, 1, 2], dtype=jnp.int32)
    return {"x": x, "W1": W1, "b1": b1, "W2": W2, "b2": b2, "Wl": Wl, "bl": bl, "src": src, "dst": dst}


def _gcn_layer(h, W, b, src, dst):
    # linear
    h = h @ W + b
    # message passing: copy_src -> sum over incoming edges (scatter-add)
    agg = jnp.zeros_like(h).at[:, dst, :].add(h[:, src, :])
    # activation: Softplus
    return jax.nn.softplus(agg)


def reference(x, W1, b1, W2, b2, Wl, bl, src, dst):
    # layers == 2 path of GNN.forward
    h1 = _gcn_layer(x, W1, b1, src, dst)
    h2 = _gcn_layer(h1, W2, b2, src, dst)
    h2t = jnp.swapaxes(h2, -2, -1)  # [B, 32, 3]
    h3 = h2t @ Wl + bl              # Linear(3 -> 1): [B, 32, 1]
    return h3

if __name__ == "__main__":
    import jax
    _d = setup_inputs()
    print(jax.jit(kernel)(*tuple(_d.values())))

</pallas_src>

<mosaic_0001>
module attributes {stable_mosaic.version = 14 : i64} {
  func.func @_body(%arg0: i32, %arg1: memref<3x4x32768xf32, #tpu.memory_space<vmem>>, %arg2: memref<4x32xf32, #tpu.memory_space<vmem>>, %arg3: memref<1x32xf32, #tpu.memory_space<vmem>>, %arg4: memref<32x32xf32, #tpu.memory_space<vmem>>, %arg5: memref<1x32xf32, #tpu.memory_space<vmem>>, %arg6: memref<1x3xf32, #tpu.memory_space<vmem>>, %arg7: memref<1x1xf32, #tpu.memory_space<vmem>>, %arg8: memref<32x32768xf32, #tpu.memory_space<vmem>>) attributes {dimension_semantics = [#tpu.dimension_semantics<parallel>], iteration_bounds = array<i64: 8>, scalar_prefetch = 0 : i64, scratch_operands = 0 : i64, tpu.core_type = #tpu.core_type<tc>, window_params = [{transform_indices = @transform_0, window_bounds = array<i64: 3, 4, 32768>}, {pipeline_mode = #tpu.pipeline_mode<synchronous>, transform_indices = @transform_1, window_bounds = array<i64: 4, 32>}, {pipeline_mode = #tpu.pipeline_mode<synchronous>, transform_indices = @transform_2, window_bounds = array<i64: 1, 32>}, {pipeline_mode = #tpu.pipeline_mode<synchronous>, transform_indices = @transform_3, window_bounds = array<i64: 32, 32>}, {pipeline_mode = #tpu.pipeline_mode<synchronous>, transform_indices = @transform_4, window_bounds = array<i64: 1, 32>}, {pipeline_mode = #tpu.pipeline_mode<synchronous>, transform_indices = @transform_5, window_bounds = array<i64: 1, 3>}, {pipeline_mode = #tpu.pipeline_mode<synchronous>, transform_indices = @transform_6, window_bounds = array<i64: 1, 1>}, {transform_indices = @transform_7, window_bounds = array<i64: 32, 32768>}]} {
    %get3A = arith.constant 0 : index
    %get3A_0 = arith.constant 0 : index
    %get3A_1 = arith.constant 0 : index
    %get3A_2 = vector.load %arg1[%get3A, %get3A_0, %get3A_1] : memref<3x4x32768xf32, #tpu.memory_space<vmem>>, vector<3x4x32768xf32>
    %slice3A = vector.extract_strided_slice %get3A_2 {offsets = [0, 0, 0], sizes = [1, 4, 32768], strides = [1, 1, 1]} : vector<3x4x32768xf32> to vector<1x4x32768xf32>
    %squeeze3A = vector.shape_cast %slice3A : vector<1x4x32768xf32> to vector<4x32768xf32>
    %slice3A_3 = vector.extract_strided_slice %get3A_2 {offsets = [1, 0, 0], sizes = [1, 4, 32768], strides = [1, 1, 1]} : vector<3x4x32768xf32> to vector<1x4x32768xf32>
    %squeeze3A_4 = vector.shape_cast %slice3A_3 : vector<1x4x32768xf32> to vector<4x32768xf32>
    %add3A = arith.addf %squeeze3A, %squeeze3A_4 : vector<4x32768xf32>
    %slice3A_5 = vector.extract_strided_slice %get3A_2 {offsets = [2, 0, 0], sizes = [1, 4, 32768], strides = [1, 1, 1]} : vector<3x4x32768xf32> to vector<1x4x32768xf32>
    %squeeze3A_6 = vector.shape_cast %slice3A_5 : vector<1x4x32768xf32> to vector<4x32768xf32>
    %add3A_7 = arith.addf %add3A, %squeeze3A_6 : vector<4x32768xf32>
    %get3A_8 = arith.constant 0 : index
    %get3A_9 = arith.constant 0 : index
    %get3A_10 = vector.load %arg2[%get3A_8, %get3A_9] : memref<4x32xf32, #tpu.memory_space<vmem>>, vector<4x32xf32>
    %mul3A = arith.constant 1.44269502 : f32
    %mul3A_11 = vector.broadcast %mul3A : f32 to vector<4x32xf32>
    %mul3A_12 = arith.mulf %mul3A_11, %get3A_10 : vector<4x32xf32>
    %get3A_13 = arith.constant 0 : index
    %get3A_14 = arith.constant 0 : index
    %get3A_15 = vector.load %arg3[%get3A_13, %get3A_14] : memref<1x32xf32, #tpu.memory_space<vmem>>, vector<1x32xf32>
    %transpose3A = tpu.transpose %get3A_15, [1, 0] : vector<1x32xf32> -> vector<32x1xf32>
    %mul3A_16 = arith.constant 4.32808495 : f32
    %mul3A_17 = vector.broadcast %mul3A_16 : f32 to vector<32x1xf32>
    %mul3A_18 = arith.mulf %mul3A_17, %transpose3A : vector<32x1xf32>
    %get3A_19 = arith.constant 0 : index
    %get3A_20 = arith.constant 0 : index
    %get3A_21 = vector.load %arg4[%get3A_19, %get3A_20] : memref<32x32xf32, #tpu.memory_space<vmem>>, vector<32x32xf32>
    %mul3A_22 = arith.constant 3.000000e+00 : f32
    %mul3A_23 = vector.broadcast %mul3A_22 : f32 to vector<32x32xf32>
    %mul3A_24 = arith.mulf %mul3A_23, %get3A_21 : vector<32x32xf32>
    %get3A_25 = arith.constant 0 : index
    %get3A_26 = arith.constant 0 : index
    %get3A_27 = vector.load %arg5[%get3A_25, %get3A_26] : memref<1x32xf32, #tpu.memory_space<vmem>>, vector<1x32xf32>
    %transpose3A_28 = tpu.transpose %get3A_27, [1, 0] : vector<1x32xf32> -> vector<32x1xf32>
    %mul3A_29 = arith.constant 4.32808495 : f32
    %mul3A_30 = vector.broadcast %mul3A_29 : f32 to vector<32x1xf32>
    %mul3A_31 = arith.mulf %mul3A_30, %transpose3A_28 : vector<32x1xf32>
    %get3A_32 = arith.constant 0 : index
    %get3A_33 = arith.constant 0 : index
    %get3A_34 = vector.load %arg6[%get3A_32, %get3A_33] : memref<1x3xf32, #tpu.memory_space<vmem>>, vector<1x3xf32>
    %reduce_sum3A = vector.shape_cast %get3A_34 : vector<1x3xf32> to vector<1x1x3xf32>
    %reduce_sum3A_35 = arith.constant dense<0.000000e+00> : vector<1xf32>
    %reduce_sum3A_36 = vector.multi_reduction <add>, %reduce_sum3A, %reduce_sum3A_35 [1, 2] : vector<1x1x3xf32> to vector<1xf32>
    %reduce_sum3A_37 = vector.shape_cast %reduce_sum3A_36 : vector<1xf32> to vector<1x1x1xf32>
    %reduce_sum3A_38 = vector.extract %reduce_sum3A_37[0, 0, 0] : f32 from vector<1x1x1xf32>
    %mul3A_39 = arith.constant 0.693147182 : f32
    %mul3A_40 = arith.mulf %mul3A_39, %reduce_sum3A_38 : f32
    %dot_general3A = arith.constant dense<0.000000e+00> : vector<32x32768xf32>
    %dot_general3A_41 = tpu.matmul %mul3A_12, %add3A_7, %dot_general3A {dimension_numbers = #tpu.dot_dimension_numbers<[0], [0], [1], [1], [0, 1, 1, 1], [], []>, transpose_lhs_hint = false} : vector<4x32xf32>, vector<4x32768xf32>, vector<32x32768xf32> -> vector<32x32768xf32>
    %add3A_42 = vector.broadcast %mul3A_18 : vector<32x1xf32> to vector<32x32768xf32>
    %add3A_43 = arith.addf %dot_general3A_41, %add3A_42 : vector<32x32768xf32>
    %exp23A = math.exp2 %add3A_43 : vector<32x32768xf32>
    %add3A_44 = arith.constant 1.000000e+00 : f32
    %add3A_45 = vector.broadcast %add3A_44 : f32 to vector<32x32768xf32>
    %add3A_46 = arith.addf %add3A_45, %exp23A : vector<32x32768xf32>
    %log3A = math.log %add3A_46 : vector<32x32768xf32>
    %log3A_47 = arith.constant 2.000000e+00 : f32
    %log3A_48 = math.log %log3A_47 : f32
    %div3A = vector.broadcast %log3A_48 : f32 to vector<32x32768xf32>
    %div3A_49 = arith.divf %log3A, %div3A : vector<32x32768xf32>
    %dot_general3A_50 = arith.constant dense<0.000000e+00> : vector<32x32768xf32>
    %dot_general3A_51 = tpu.matmul %mul3A_24, %div3A_49, %dot_general3A_50 {dimension_numbers = #tpu.dot_dimension_numbers<[0], [0], [1], [1], [0, 1, 1, 1], [], []>, transpose_lhs_hint = false} : vector<32x32xf32>, vector<32x32768xf32>, vector<32x32768xf32> -> vector<32x32768xf32>
    %add3A_52 = vector.broadcast %mul3A_31 : vector<32x1xf32> to vector<32x32768xf32>
    %add3A_53 = arith.addf %dot_general3A_51, %add3A_52 : vector<32x32768xf32>
    %exp23A_54 = math.exp2 %add3A_53 : vector<32x32768xf32>
    %add3A_55 = arith.constant 1.000000e+00 : f32
    %add3A_56 = vector.broadcast %add3A_55 : f32 to vector<32x32768xf32>
    %add3A_57 = arith.addf %add3A_56, %exp23A_54 : vector<32x32768xf32>
    %log3A_58 = math.log %add3A_57 : vector<32x32768xf32>
    %log3A_59 = arith.constant 2.000000e+00 : f32
    %log3A_60 = math.log %log3A_59 : f32
    %div3A_61 = vector.broadcast %log3A_60 : f32 to vector<32x32768xf32>
    %div3A_62 = arith.divf %log3A_58, %div3A_61 : vector<32x32768xf32>
    %mul3A_63 = vector.broadcast %mul3A_40 : f32 to vector<32x32768xf32>
    %mul3A_64 = arith.mulf %mul3A_63, %div3A_62 : vector<32x32768xf32>
    %get3A_65 = arith.constant 0 : index
    %get3A_66 = arith.constant 0 : index
    %get3A_67 = vector.load %arg7[%get3A_65, %get3A_66] : memref<1x1xf32, #tpu.memory_space<vmem>>, vector<1x1xf32>
    %add3A_68 = vector.broadcast %get3A_67 : vector<1x1xf32> to vector<32x32768xf32>
    %add3A_69 = arith.addf %mul3A_64, %add3A_68 : vector<32x32768xf32>
    %swap3A = arith.constant 0 : index
    %swap3A_70 = arith.constant 0 : index
    %swap3A_71 = vector.load %arg8[%swap3A, %swap3A_70] : memref<32x32768xf32, #tpu.memory_space<vmem>>, vector<32x32768xf32>
    tpu.vector_store %arg8[%swap3A, %swap3A_70], %add3A_69 {strides = array<i32>} : memref<32x32768xf32, #tpu.memory_space<vmem>>, vector<32x32768xf32>,
    return
  }
  func.func @transform_0(%arg0: i32) -> (i32, i32, i32) {
    %c0_i32 = arith.constant 0 : i32
    %c0_i32_0 = arith.constant 0 : i32
    %c0_i32_1 = arith.constant 0 : i32
    return %c0_i32, %c0_i32_0, %arg0 : i32, i32, i32
  }
  func.func @transform_1(%arg0: i32) -> (i32, i32) {
    %c0_i32 = arith.constant 0 : i32
    %c0_i32_0 = arith.constant 0 : i32
    %c0_i32_1 = arith.constant 0 : i32
    return %c0_i32, %c0_i32_0 : i32, i32
  }
  func.func @transform_2(%arg0: i32) -> (i32, i32) {
    %c0_i32 = arith.constant 0 : i32
    %c0_i32_0 = arith.constant 0 : i32
    %c0_i32_1 = arith.constant 0 : i32
    return %c0_i32, %c0_i32_0 : i32, i32
  }
  func.func @transform_3(%arg0: i32) -> (i32, i32) {
    %c0_i32 = arith.constant 0 : i32
    %c0_i32_0 = arith.constant 0 : i32
    %c0_i32_1 = arith.constant 0 : i32
    return %c0_i32, %c0_i32_0 : i32, i32
  }
  func.func @transform_4(%arg0: i32) -> (i32, i32) {
    %c0_i32 = arith.constant 0 : i32
    %c0_i32_0 = arith.constant 0 : i32
    %c0_i32_1 = arith.constant 0 : i32
    return %c0_i32, %c0_i32_0 : i32, i32
  }
  func.func @transform_5(%arg0: i32) -> (i32, i32) {
    %c0_i32 = arith.constant 0 : i32
    %c0_i32_0 = arith.constant 0 : i32
    %c0_i32_1 = arith.constant 0 : i32
    return %c0_i32, %c0_i32_0 : i32, i32
  }
  func.func @transform_6(%arg0: i32) -> (i32, i32) {
    %c0_i32 = arith.constant 0 : i32
    %c0_i32_0 = arith.constant 0 : i32
    %c0_i32_1 = arith.constant 0 : i32
    return %c0_i32, %c0_i32_0 : i32, i32
  }
  func.func @transform_7(%arg0: i32) -> (i32, i32) {
    %c0_i32 = arith.constant 0 : i32
    %c0_i32_0 = arith.constant 0 : i32
    return %c0_i32, %arg0 : i32, i32
  }
}

</mosaic_0001>

<sc_bundles>
// kernel: sparse-core-data-format-call.cloned.1.call-start
scs
called_computation_lowered:
.L_overlay_start_0:
0x0: {  	s2 =	sld [smem:$0x3FD9]  }
0x1: {  	s3 =	sld [smem:$0x3FFE];
	_ =	sdelay $0x1  }
0x2: {  	s1 =	srdreg.scid  }
0x3: {  	s0 =	sand.u32 $0x1, s1  }
0x4: {  	s18 =	sshll.u32 s0, $0xA;
	s2 =	sadd.s32 s3, s2  }
0x5: {  	s2 =	sadd.s32 s2, s18  }
0x6: {  	[smem:$0x3FC1] =	sst s2  }
0x7: {  	_ = 	snop  }
0x8: {  	s2 =	sld [smem:$0x3FD0];
	(tm) =	ssettm $0x1  }
0x9: {  	s19 =	sld [smem:$0x3FFB];
	_ =	sdelay $0x3  }
0xa: {  	_ =	strace s19  }
0xb: {  	s3 =	sld [smem:$0x3FFC];
	_ =	sdelay $0x3  }
0xc: {  	_ =	strace s3  }
0xd: {  	s3 =	sld [smem:$0x3FFD];
	_ =	sdelay $0x3  }
0xe: {  	_ =	strace s3  }
0xf: {  	_ =	strace $0x8FFFFFFF  }
0x10: {  	s20 =	sld [smem:$0x3FDB];
	_ =	sdelay $0x1  }
0x11: {  	s4 =	simm.s32 $_scs_section_size  }
0x12: {  	s5 =	simm.s32 $_size__tile_overlayer_lowered;
	s6 =	simm.s32 $_tile_overlayer_lowered  }
0x13: {  	s23 =	simm.s32 $0x1BFF;
	s22 =	sshll.u32 s6, $0x1;
	s3 =	sadd.s32 s4, s20  }
0x14: {  	s7 =	simm.s32 $0x0;
	s21 =	sshll.u32 s5, $0x1;
	s5 =	sadd.s32 s22, s3  }
0x15: {  	[timem:s7], [sflag:s23] =	dma.local [hbm:s5], s21  }
0x16: {  	_ =	swait.ge [sflag:s23], s21  }
0x17: {  	s4 =	ssub.s32 $0x0, s21;
	[sflag:s23] =	ssyncset.done $0x0  }
0x18: {  	[sflag:s23] =	ssyncadd.s32 s4;
	_ =	sdelay $0x1  }
0x19: {  	s24 =	simm.s32 $0x1B8B  }
0x1a: {  	_ =	swait.ge [sflag:s24], $0x1  }
0x1b: {  	[sflag:s24] =	ssyncset.done $0x0  }
0x1c: {  	s26 =	simm.s32 $0x1B8E;
	s25 =	sld [smem:$0x3FFE];
	[sflag:s24] =	ssyncadd.s32 $0xFFFFFFFF  }
0x1d: {  	s27 =	simm.s32 $execute0_lowered;
	[smem:$0x3FD2] =	sst s26  }
0x1e: {  	s5 =	sshll.u32 s27, $0x1;
	_ =	strace $0x80000046;
	[dreg:$0x1] =	wrdreg $0xFFFFFFFF  }
0x1f: {  	s28 =	simm.s32 $_size_execute0_lowered;
	s3 =	sadd.s32 s3, s5;
	[dreg:$0x0] =	wrdreg $0x0  }
0x20: {  	s5 =	sshll.u32 s28, $0x1;
	[dreg:$0x2] =	wrdreg s3  }
0x21: {  	[dreg:$0x3] =	wrdreg s5  }
0x22: {  	[dreg:$0x4] =	wrdreg $0xC0  }
0x23: {  	_ =	task [dreg:s7], $0x5FFFF  }
0x24: {  	[dreg:$0x1] =	wrdreg $0xFFFFFFFF  }
0x25: {  	[dreg:$0x0] =	wrdreg $0x60  }
0x26: {  	[dreg:$0x2] =	wrdreg s25  }
0x27: {  	[dreg:$0x3] =	wrdreg s2  }
0x28: {  	[dreg:$0x4] =	wrdreg $0x9  }
0x29: {  	_ =	task.clear_ibuf [dreg:s7], $0x5FFFF;
	_ =	strace $0x90000046  }
0x2a: {  	s29 =	simm.s32 $0x9;
	_ =	strace $0x80000048  }
0x2b: {  	_ =	swait.ge [sflag:s29], $0x1  }
0x2c: {  	[sflag:s29] =	ssyncadd.s32 $0xFFFFFFFF  }
0x2d: {  	_ =	strace $0x90000048  }
0x2e: {  	_ =	sfence  }
0x2f: {  	s30 =	sld [smem:$0x0];
	_ =	sdelay $0x2  }
0x30: {  	s31 =	sshll.u32 s1, $0xD;
	s1 =	sshrl.u32 s1, $0x2  }
0x31: {  	s3 =	sand.u32 $0x4000, s31;
	s1 =	sadd.s32 s1, s30  }
0x32: {  	s0 =	sor.u32 s3, s0;
	s1 =	sshll.u32 s1, $0x11  }
0x33: {  	s0 =	sor.u32 s1, s0  }
0x34: {  	s0 =	sadd.s32 $0x8F2B, s0  }
0x35: {  	[sflag:s0] =	ssyncadd.remote.s32 $0x1  }
0x36: {  	_ =	sfence.sel $0xFFFF  }
0x37: {  	[dreg:$0x0] =	wrdreg $0xFFFFFFFF;
	(pc) =	sbr.abs _section_cstart, $3  }
0x38: {  	[dreg:$0x1] =	wrdreg $0xFFFFFFFF  }
0x39: {  	_ =	task.clear_ibuf [dreg:s7], $0x2FFFF;
	_ =	strace $0x9FFFFFFF  }
0x3a: {  	(tm) =	ssettm $0x7FFFFFFF  }
0x3b: {  	_ =	shalt  }
tec
execute0_lowered:
.L_overlay_start_1:
0x0: {  	(tag) =	ssettag $0x1  }
0x1: {  	s7 =	rddreg [dreg:$0x0];
	s0 =	stileid.u32  }
0x2: {  	s1 =	srdreg.scid;
	s2 =	rddreg [dreg:$0x1];
	s31 =	simm.s32 $0x2  }
0x3: {  	s14 =	simm.s32 $0x0;
	s15 =	simm.s32 $0x0;
	s13 =	simm.s32 $0x0  }
0x4: {  	s3 =	sshll.u32 s0, $0x3;
	s4 =	sshll.u32 s0, $0x9;
	s1 =	sshll.u32 s1, $0xD  }
0x5: {  	s3 =	sand.u32 $0x18, s3;
	s4 =	sor.u32 s4, s1;
	s1 =	rddreg [dreg:$0x2]  }
0x6: {  	_ =	strace $0x80000047;
	s4 =	sand.u32 $0x3800, s4;
	s5 =	ssub.s32 $0x20, s3  }
0x7: {  	s6 =	sand.u32 $0x18, s5;
	s8 =	ssub.s32 $0x40000, s4;
	s10 =	sshrl.u32 s5, $0x5  }
0x8: {  	p0 =	sne.s32 s6, $0x0;
	s6 =	simm.s32 $0x1;
	s9 =	sand.u32 $0x3800, s8  }
0x9: {  	s6 =	simm.s32 @!p0 $0x0;
	p0 =	sne.s32 s9, $0x0;
	s9 =	simm.s32 $0x1  }
.Ltmp0:
0xa: {  	s8 =	sshrl.u32 s8, $0xE;
	s9 =	simm.s32 @!p0 $0x0;
	(pc) =	sbr.rel .LBB1_1-.Ltmp0, $4  }
0xb: {  	s5 =	simm.s32 $0x1;
	s6 =	sadd.s32 s6, s10;
	s8 =	sadd.s32 s9, s8  }
0xc: {  	s7 =	sadd.s32 $0x1000, s7;
	[sflag:s5] =	ssyncpa.u1 $0x0;
	s6 =	smul.u32 s6, s8  }
0xd: {  	s12 =	smov.u32 s3;
	s11 =	smov.u32 s4;
	[sflag:s31] =	ssyncpa.u1 $0x0  }
0xe: {  	s10 =	simm.s32 $0x0;
	s9 =	simm.s32 $0x40000;
	s8 =	sadd.s32 $0x1, s6  }
.LBB1_7:
0xf: {  	s16 =	sadd.s32 $0x4000, s11  }
0x10: {  	s14 =	sadd.s32 $0x20, s12;
	s18 =	smov.u32 s12;
	p1 =	sgt.s32 s16, $0x3FFFF  }
0x11: {  	s18 =	smov.u32 @p1 s14  }
0x12: {  	s16 =	smov.u32 @p1 s4;
	p1 =	sgt.s32 s18, $0x1F  }
0x13: {  	s18 =	smov.u32 @p1 s3;
	p1 =	sne.s32 s13, s8  }
.Ltmp1:
0x14: {  	p0 =	slt.u32 s13, $0x2;
	(pc) =	sbr.rel @!p1 .LBB1_8-.Ltmp1, $4  }
0x15: {  	s17 =	simm.s32 @!p0 $0x2  }
0x16: {  	s15 =	smov.u32 s12;
	s10 =	sadd.s32 $0x4000, s10;
	_ =	swait.ge @!p0 [sflag:s17], $0x4000  }
0x17: {  	s14 =	smov.u32 s11;
	[sflag:s17] =	ssyncset.done @!p0 $0x0;
	s11 =	smov.u32 s16  }
0x18: {  	s13 =	sadd.s32 $0x1, s13;
	[sflag:s17] =	ssyncadd.s32 @!p0 $0xFFFFC000;
	s12 =	smov.u32 s18  }
.LBB1_1:
0x19: {  	p0 =	sge.u32 s13, s6  }
0x1a: {  	s16 =	sand.u32 @!p0 $0x78, s11;
	s17 =	sshll.u32 @!p0 s12, $0x12;
	s18 =	sshll.u32 @!p0 s12, $0x7  }
0x1b: {  	s19 =	sshll.u32 @!p0 s11, $0x3;
	s17 =	sand.u32 @!p0 $0x600000, s17;
	s18 =	sand.u32 @!p0 $0x380, s18  }
0x1c: {  	s17 =	sadd.s32 @!p0 s17, s19;
	s19 =	sand.u32 @!p0 $0x3FC00, s19;
	s16 =	sor.u32 @!p0 s18, s16  }
0x1d: {  	s17 =	sand.u32 @!p0 $0x7C0000, s17;
	s16 =	sor.u32 @!p0 s19, s16  }
0x1e: {  	s18 =	sxor.u32 @!p0 $0xFFFFFFFF, s13;
	s16 =	sor.u32 @!p0 s17, s16  }
0x1f: {  	s31 =	sadd.s32 $0xFFFFFFFF, s13;
	s17 =	sshll.u32 @!p0 s18, $0xE;
	s16 =	sshrl.u32 @!p0 s16, $0x3  }
0x20: {  	s18 =	sand.u32 @!p0 $0x7, s11;
	s17 =	sand.u32 @!p0 $0x4000, s17;
	s16 =	sadd.s32 @!p0 s7, s16  }
0x21: {  	[tilespmem:s17], [sflag:$0x1] =	stream.linear.gather @!p0 [hbm4b:s16+s18], $0x4000, $0x38;
	[tilespmem:$0x10000] =	vst v63  }
0x22: {  	p0 =	sge.u32 s31, s6  }
.Ltmp2:
0x23: {  	_ = 	snop;
	(pc) =	sbr.rel @p0 .LBB1_7-.Ltmp2, $1  }
0x24: {  	_ =	sdelay $0x3  }
0x25: {  	s16 =	sand.u32 $0x4000, s10  }
0x26: {  	_ =	swait.ge [sflag:s5], $0x4000;
	s19 =	sshll.u32 s13, $0xE;
	s17 =	sor.u32 $0x8100, s16  }
0x27: {  	s18 =	sor.u32 $0x800, s16;
	[sflag:s5] =	ssyncset.done $0x0;
	s31 =	sand.u32 $0x4000, s19  }
0x28: {  	s19 =	simm.s32 $0x0;
	[sflag:s5] =	ssyncadd.s32 $0xFFFFC000;
	s16 =	sor.u32 $0x8000, s31  }
.LBB1_3:
0x29: {  	v0 =	vld [tilespmem:s18+$0x470]  }
0x2a: {  	v1 =	vld [tilespmem:s18+$0xFFFFF810]  }
0x2b: {  	v2 =	vld [tilespmem:s18+$0xFFFFF820]  }
0x2c: {  	v3 =	vld [tilespmem:s18+$0xFFFFF830]  }
0x2d: {  	v4 =	vld [tilespmem:s18+$0xFFFFF840]  }
0x2e: {  	v5 =	vld [tilespmem:s18+$0xFFFFF850];
	[tilespmem:s17+$0xF0] =	vst v0  }
0x2f: {  	[tilespmem:s17+$0xFFFFFF10] =	vst v1;
	v0 =	vld [tilespmem:s18+$0xFFFFF860]  }
0x30: {  	[tilespmem:s17+$0xFFFFFF20] =	vst v2;
	v1 =	vld [tilespmem:s18+$0xFFFFF870]  }
0x31: {  	[tilespmem:s17+$0xFFFFFF30] =	vst v3;
	v2 =	vld [tilespmem:s18+$0xFFFFFC00]  }
0x32: {  	[tilespmem:s17+$0xFFFFFF40] =	vst v4;
	v3 =	vld [tilespmem:s18+$0xFFFFFC10]  }
0x33: {  	[tilespmem:s17+$0xFFFFFF50] =	vst v5;
	v4 =	vld [tilespmem:s18+$0xFFFFFC20]  }
0x34: {  	v5 =	vld [tilespmem:s18+$0x420];
	[tilespmem:s17+$0xFFFFFF60] =	vst v0  }
0x35: {  	v0 =	vld [tilespmem:s18+$0xFFFFFC30];
	[tilespmem:s17+$0xFFFFFF70] =	vst v1  }
0x36: {  	v1 =	vld [tilespmem:s18+$0xFFFFFC40];
	[tilespmem:s17+$0xFFFFFF80] =	vst v2  }
0x37: {  	[tilespmem:s17+$0xFFFFFF90] =	vst v3;
	v3 =	vld [tilespmem:s18+$0xFFFFFC60]  }
0x38: {  	[tilespmem:s17+$0xFFFFFFA0] =	vst v4;
	v4 =	vld [tilespmem:s18+$0xFFFFFC70]  }
0x39: {  	v2 =	vld [tilespmem:s18+$0xFFFFFC50];
	[tilespmem:s17+$0xA0] =	vst v5  }
0x3a: {  	[tilespmem:s17+$0xFFFFFFB0] =	vst v0;
	v0 =	vld [tilespmem:s18+$0x0]  }
0x3b: {  	[tilespmem:s17+$0xFFFFFFC0] =	vst v1;
	v1 =	vld [tilespmem:s18+$0x10]  }
0x3c: {  	[tilespmem:s17+$0xFFFFFFE0] =	vst v3;
	v3 =	vld [tilespmem:s18+$0x30]  }
0x3d: {  	[tilespmem:s17+$0xFFFFFFF0] =	vst v4;
	v4 =	vld [tilespmem:s18+$0x40]  }
0x3e: {  	[tilespmem:s17+$0xFFFFFFD0] =	vst v2;
	v2 =	vld [tilespmem:s18+$0x20]  }
0x3f: {  	[tilespmem:s17+$0x0] =	vst v0;
	v0 =	vld [tilespmem:s18+$0x50]  }
0x40: {  	[tilespmem:s17+$0x10] =	vst v1;
	v1 =	vld [tilespmem:s18+$0x60]  }
0x41: {  	[tilespmem:s17+$0x30] =	vst v3;
	v3 =	vld [tilespmem:s18+$0x400]  }
0x42: {  	[tilespmem:s17+$0x40] =	vst v4;
	v4 =	vld [tilespmem:s18+$0x410]  }
0x43: {  	[tilespmem:s17+$0x20] =	vst v2;
	v2 =	vld [tilespmem:s18+$0x70]  }
0x44: {  	[tilespmem:s17+$0x50] =	vst v0;
	v0 =	vld [tilespmem:s18+$0x430]  }
0x45: {  	[tilespmem:s17+$0x60] =	vst v1;
	v1 =	vld [tilespmem:s18+$0x440]  }
0x46: {  	[tilespmem:s17+$0x80] =	vst v3;
	v3 =	vld [tilespmem:s18+$0x450]  }
0x47: {  	[tilespmem:s17+$0x90] =	vst v4;
	v4 =	vld [tilespmem:s18+$0x460]  }
0x48: {  	s21 =	simm.s32 $0x0;
	s22 =	sadd.s32 $0x1000, s18;
	s20 =	smov.u32 s17;
	[tilespmem:s17+$0x70] =	vst v2;
	v2 =	vld [tilespmem:s18+$0xFFFFF800]  }
.LBB1_4:
0x49: {  	v5 =	vld [tilespmem:s22+$0x470];
	s21 =	sadd.s32 $0x200, s21;
	[tilespmem:s20+$0xB0] =	vst v0  }
0x4a: {  	v0 =	vld [tilespmem:s22+$0xFFFFF810];
	p0 =	slt.u32 s21, $0x600;
	[tilespmem:s20+$0xC0] =	vst v1  }
0x4b: {  	v1 =	vld [tilespmem:s22+$0xFFFFF820];
	[tilespmem:s20+$0xD0] =	vst v3  }
0x4c: {  	v3 =	vld [tilespmem:s22+$0xFFFFF830];
	[tilespmem:s20+$0xE0] =	vst v4  }
0x4d: {  	v4 =	vld [tilespmem:s22+$0xFFFFF840];
	[tilespmem:s20+$0xFFFFFF00] =	vst v2;
	s20 =	sadd.s32 $0x200, s20  }
0x4e: {  	v2 =	vld [tilespmem:s22+$0xFFFFF850];
	[tilespmem:s20+$0xF0] =	vst v5  }
0x4f: {  	[tilespmem:s20+$0xFFFFFF10] =	vst v0;
	v0 =	vld [tilespmem:s22+$0xFFFFF860]  }
0x50: {  	[tilespmem:s20+$0xFFFFFF20] =	vst v1;
	v1 =	vld [tilespmem:s22+$0xFFFFF870]  }
0x51: {  	[tilespmem:s20+$0xFFFFFF30] =	vst v3;
	v3 =	vld [tilespmem:s22+$0xFFFFFC00]  }
0x52: {  	[tilespmem:s20+$0xFFFFFF40] =	vst v4;
	v4 =	vld [tilespmem:s22+$0xFFFFFC10]  }
0x53: {  	[tilespmem:s20+$0xFFFFFF50] =	vst v2;
	v2 =	vld [tilespmem:s22+$0xFFFFFC20]  }
0x54: {  	[tilespmem:s20+$0xFFFFFF60] =	vst v0;
	v0 =	vld [tilespmem:s22+$0xFFFFFC30]  }
0x55: {  	[tilespmem:s20+$0xFFFFFF70] =	vst v1;
	v1 =	vld [tilespmem:s22+$0xFFFFFC40]  }
0x56: {  	[tilespmem:s20+$0xFFFFFF80] =	vst v3;
	v3 =	vld [tilespmem:s22+$0xFFFFFC50]  }
0x57: {  	[tilespmem:s20+$0xFFFFFF90] =	vst v4;
	v4 =	vld [tilespmem:s22+$0xFFFFFC60]  }
0x58: {  	[tilespmem:s20+$0xFFFFFFA0] =	vst v2;
	v2 =	vld [tilespmem:s22+$0xFFFFFC70]  }
0x59: {  	[tilespmem:s20+$0xFFFFFFB0] =	vst v0;
	v0 =	vld [tilespmem:s22+$0x0]  }
0x5a: {  	[tilespmem:s20+$0xFFFFFFC0] =	vst v1;
	v1 =	vld [tilespmem:s22+$0x10]  }
0x5b: {  	[tilespmem:s20+$0xFFFFFFD0] =	vst v3;
	v3 =	vld [tilespmem:s22+$0x20]  }
0x5c: {  	[tilespmem:s20+$0xFFFFFFE0] =	vst v4;
	v4 =	vld [tilespmem:s22+$0x30]  }
0x5d: {  	[tilespmem:s20+$0xFFFFFFF0] =	vst v2;
	v2 =	vld [tilespmem:s22+$0x40]  }
0x5e: {  	[tilespmem:s20+$0x0] =	vst v0;
	v0 =	vld [tilespmem:s22+$0x50]  }
0x5f: {  	[tilespmem:s20+$0x10] =	vst v1;
	v1 =	vld [tilespmem:s22+$0x60]  }
0x60: {  	[tilespmem:s20+$0x20] =	vst v3;
	v3 =	vld [tilespmem:s22+$0x70]  }
0x61: {  	[tilespmem:s20+$0x30] =	vst v4;
	v4 =	vld [tilespmem:s22+$0x400]  }
0x62: {  	[tilespmem:s20+$0x40] =	vst v2;
	v2 =	vld [tilespmem:s22+$0x410]  }
0x63: {  	[tilespmem:s20+$0x50] =	vst v0;
	v5 =	vld [tilespmem:s22+$0x420]  }
.Ltmp3:
0x64: {  	[tilespmem:s20+$0x60] =	vst v1;
	v0 =	vld [tilespmem:s22+$0x430];
	(pc) =	sbr.rel @p0 .LBB1_4-.Ltmp3, $4  }
0x65: {  	[tilespmem:s20+$0x70] =	vst v3;
	v1 =	vld [tilespmem:s22+$0x440]  }
0x66: {  	[tilespmem:s20+$0x80] =	vst v4;
	v3 =	vld [tilespmem:s22+$0x450]  }
0x67: {  	[tilespmem:s20+$0x90] =	vst v2;
	v4 =	vld [tilespmem:s22+$0x460]  }
0x68: {  	v2 =	vld [tilespmem:s22+$0xFFFFF800];
	[tilespmem:s20+$0xA0] =	vst v5;
	s22 =	sadd.s32 $0x1000, s22  }
0x69: {  	s19 =	sadd.s32 $0x1, s19  }
0x6a: {  	p0 =	sne.s32 s19, $0x8  }
.Ltmp4:
0x6b: {  	[tilespmem:s20+$0xB0] =	vst v0;
	(pc) =	sbr.rel @p0 .LBB1_3-.Ltmp4, $4  }
0x6c: {  	[tilespmem:s20+$0xC0] =	vst v1  }
0x6d: {  	[tilespmem:s20+$0xD0] =	vst v3  }
0x6e: {  	[tilespmem:s20+$0xE0] =	vst v4  }
0x6f: {  	s17 =	sadd.s32 $0x800, s17;
	s18 =	sadd.s32 $0x80, s18;
	[tilespmem:s20+$0xFFFFFF00] =	vst v2  }
.Ltmp5:
0x70: {  	(pc) =	sbr.rel .LBB1_7-.Ltmp5, $4  }
0x71: {  	s15 =	sshll.u32 s15, $0xF;
	s17 =	sshrl.u32 s14, $0x3;
	s31 =	sand.u32 $0x7, s14  }
0x72: {  	s17 =	sand.u32 $0x7FFF, s17;
	s15 =	sadd.s32 s2, s15;
	s14 =	sshll.u32 s31, $0x12  }
0x73: {  	s15 =	sadd.s32 s17, s15;
	s14 =	sor.u32 $0x800, s14  }
0x74: {  	[hbm4b:s15+s14] =	stream.strided.scatter [tilespmem:s16], [sflag:$0x2], $0x4000, s9, s14, $0x38;
	[tilespmem:$0x10000] =	vst v63  }
.LBB1_8:
0x75: {  	_ =	sfence.sel $0x180000  }
0x76: {  	s2 =	simm.s32 $0x1;
	[bflag:$0x0] =	sbarrier.arrive $0xFFFF  }
0x77: {  	s31 =	simm.s32 $0x2;
	[sflag:s2] =	ssyncpa.u1 $0x1  }
0x78: {  	[sflag:s31] =	ssyncpa.u1 $0x1  }
0x79: {  	p0 =	sne.s32 s0, $0x0;
	_ =	strace $0x90000047  }
0x7a: {  	s0 =	sadd.s32 @!p0 $0x100000, s1;
	[bflag:$0x2] =	sbarrier.arrive $0xFFFF  }
0x7b: {  	[sflag:s0] =	ssyncadd.tile.s32 @!p0 $0x1;
	_ =	shalt  }
.Lfunc_end1:
_tile_overlayer_lowered:
.L_overlay_start_2:
0x7c: {  	(tag) =	ssettag $0x2  }
0x7d: {  	s0 =	rddreg [dreg:$0x0];
	s2 =	stileid.u32  }
0x7e: {  	s1 =	rddreg [dreg:$0x1];
	p0 =	sne.s32 s2, $0x0  }
0x7f: {  	s3 =	rddreg [dreg:$0x2];
	[bflag:$0x3] =	sbarrier.arrive $0xFFFF;
	s2 =	simm.s32 @!p0 $0x1C01  }
0x80: {  	[timem:s3], [sflag:s2] =	dma.local @!p0 [hbm:s0], s1  }
0x81: {  	s0 =	simm.s32 @!p0 $0x1  }
0x82: {  	_ =	swait.ge @!p0 [sflag:s0], s1  }
0x83: {  	s1 =	ssub.s32 @!p0 $0x0, s1;
	[sflag:s0] =	ssyncset.done @!p0 $0x0  }
0x84: {  	[sflag:s0] =	ssyncadd.s32 @!p0 s1  }
0x85: {  	[bflag:$0x3] =	sbarrier.arrive $0xFFFF  }
0x86: {  	_ =	shalt  }

</sc_bundles>
